<compile_context>
chip_gen: v7x
topology: tpu7x:2x2x1
jax: 0.10.2.dev20260603
libtpu: 0.0.44.dev20260713+nightly
codegen_flags: <defaults>
</compile_context>

<pallas_src>
import math

import jax
import jax.numpy as jnp
from jax.experimental import pallas as pl
from jax.experimental.pallas import tpu as pltpu
from jax.experimental.pallas import tpu_sc as plsc

_PAD = 0
_CONF = 0.9
_N = 2048
_V = 32000
_W = 1280
_GRID = _V // _W
_SLABS = _W // 128
_LAG = 8

_L1 = _CONF
_L0 = (1.0 - _CONF) / (_V - 2)
_C = _L1 * math.log(_L1) + (_V - 1) * _L0 * math.log(_L0)


def _sum_body(m_ref, yp_ref, s_out_ref, npad_ref, s_ref):
    j = pl.program_id(0)

    @pl.when(j == 0)
    def _():
        s_ref[...] = jnp.zeros((_N, 128), jnp.float32)

    part = yp_ref[:, 0:128]
    for c in range(1, _SLABS):
        part = part + yp_ref[:, c * 128:(c + 1) * 128]
    s_ref[...] += part

    @pl.when(j == _GRID - 1)
    def _():
        m = m_ref[...]
        s_out_ref[0, 0] = jnp.sum(s_ref[...] * m)
        npad_ref[0, 0] = jnp.sum(m).astype(jnp.int32)


def _masked_sum(yp, mrow):
    return pl.pallas_call(
        _sum_body,
        grid=(_GRID,),
        in_specs=[
            pl.BlockSpec((_N, 1), lambda j: (0, 0)),
            pl.BlockSpec((_N, _W), lambda j: (0, j)),
        ],
        out_specs=[
            pl.BlockSpec(memory_space=pltpu.SMEM),
            pl.BlockSpec(memory_space=pltpu.SMEM),
        ],
        out_shape=[
            jax.ShapeDtypeStruct((1, 1), jnp.float32),
            jax.ShapeDtypeStruct((1, 1), jnp.int32),
        ],
        scratch_shapes=[pltpu.VMEM((_N, 128), jnp.float32)],
    )(mrow, yp)


def _sc_gather(yp, calign):
    mesh = plsc.VectorSubcoreMesh(
        core_axis_name="core", subcore_axis_name="subcore"
    )
    per_core = 64

    @pl.kernel(
        out_type=jax.ShapeDtypeStruct((8 * _N, 128), jnp.float32),
        mesh=mesh,
        scratch_types=[
            pltpu.VMEM((1, 128), jnp.int32),
            pltpu.SemaphoreType.DMA,
            pltpu.SemaphoreType.DMA,
        ],
    )
    def _k(yp_hbm, c_hbm, o_hbm, idx_vmem, isem, sem):
        core = jax.lax.axis_index("core")
        sub = jax.lax.axis_index("subcore")
        pltpu.async_copy(
            c_hbm.at[:, pl.ds(sub * 128, 128)], idx_vmem, isem
        ).wait()
        base = core * per_core

        @pl.loop(0, per_core)
        def _(i):
            k = base + i
            n = sub * 128 + k
            r0 = (n // 8) * 8
            cvec = idx_vmem[0, pl.ds(k, 1)]
            c = pl.multiple_of(cvec[0], 128)
            pltpu.async_copy(
                yp_hbm.at[pl.ds(r0, 8), pl.ds(c, 128)],
                o_hbm.at[pl.ds(n * 8, 8)],
                sem,
            )

            @pl.when(i >= _LAG)
            def _():
                pltpu.make_async_copy(
                    yp_hbm.at[pl.ds(0, 8), pl.ds(0, 128)],
                    o_hbm.at[pl.ds(0, 8)],
                    sem,
                ).wait()

        @pl.loop(0, _LAG)
        def _(i):
            pltpu.make_async_copy(
                yp_hbm.at[pl.ds(0, 8), pl.ds(0, 128)],
                o_hbm.at[pl.ds(0, 8)],
                sem,
            ).wait()

    return _k(yp, calign.reshape(1, _N))


def _combine_body(g_ref, lane_ref, s_ref, npad_ref, loss_ref, npad_out):
    lanes = jax.lax.broadcasted_iota(jnp.int32, (8 * _N, 128), 1)
    sel = jnp.where(lanes == lane_ref[...], g_ref[...], 0.0)
    gsum = jnp.sum(sel)
    npad_out[0, 0] = npad_ref[0, 0]
    loss_ref[0, 0] = (
        npad_ref[0, 0].astype(jnp.float32) * _C
        - _L0 * s_ref[0, 0]
        - (_L1 - _L0) * gsum
    )


def kernel(y_pred, y_true):
    yp = y_pred.reshape(_N, _V)
    yt = y_true.reshape(_N, 1)
    nonpad = yt != _PAD
    mrow = nonpad.astype(jnp.float32)
    calign = (yt // 128 * 128).reshape(_N)
    sub = jnp.arange(_N, dtype=jnp.int32).reshape(_N, 1) % 8
    sub8 = jax.lax.broadcasted_iota(jnp.int32, (_N, 8), 1)
    lane8 = jnp.where((sub8 == sub) & nonpad, yt % 128, -1)
    lane2 = lane8.reshape(8 * _N, 1)

    s, npad = _masked_sum(yp, mrow)
    g = _sc_gather(yp, calign)

    loss, npad_out = pl.pallas_call(
        _combine_body,
        in_specs=[
            pl.BlockSpec((8 * _N, 128), lambda: (0, 0)),
            pl.BlockSpec((8 * _N, 1), lambda: (0, 0)),
            pl.BlockSpec(memory_space=pltpu.SMEM),
            pl.BlockSpec(memory_space=pltpu.SMEM),
        ],
        out_specs=[
            pl.BlockSpec(memory_space=pltpu.SMEM),
            pl.BlockSpec(memory_space=pltpu.SMEM),
        ],
        out_shape=[
            jax.ShapeDtypeStruct((1, 1), jnp.float32),
            jax.ShapeDtypeStruct((1, 1), jnp.int32),
        ],
    )(g, lane2, s, npad)
    return (loss[0, 0], npad_out[0, 0])

# --- scband reference (transcript-rebuilt; emitter-appended) ---
"""Pipeline reference for scband-loss-63213328662877 (READ-ONLY COPY).

The authoritative reference and input builder live on the scoring server;
editing this copy changes nothing except your own understanding.
"""

import jax, jax.numpy as jnp
import numpy as np

PADDING_IDX = 0
SMOOTHING_CONFIDENCE = 0.9


def setup_inputs(seed: int = 0) -> dict:
    key = jax.random.key(seed)
    k1, k2 = jax.random.split(key)
    y_pred = jax.random.normal(k1, (1, 2048, 32000), dtype=jnp.float32)
    y_true = jax.random.randint(k2, (1, 2048), 0, 32000, dtype=jnp.int32)
    return {"y_pred": y_pred, "y_true": y_true}


def reference(y_pred, y_true):
    # non-padding token count
    non_padding_sum = jnp.sum(y_true != PADDING_IDX)

    label_one = 1.0
    label_zero = 0.0
    if SMOOTHING_CONFIDENCE:
        cls_size = y_pred.shape[-1]
        label_one = SMOOTHING_CONFIDENCE
        label_zero = (1.0 - SMOOTHING_CONFIDENCE) / (cls_size - 2)

    V = y_pred.shape[-1]
    yp = y_pred.reshape(-1, V)
    yt = y_true.reshape(-1)
    N = yp.shape[0]

    # torch.empty_like(...).fill_(label_zero).scatter_(1, y_true.unsqueeze(-1), label_one)
    target = jnp.full((N, V), label_zero, dtype=yp.dtype)
    target = target.at[jnp.arange(N), yt].set(label_one)

    # NOTE: original code has `y_target[:, padding_idx] == 0` which is a no-op
    # (comparison, not assignment); we faithfully omit any effect.

    # index_fill_ rows where y_true == padding_idx with 0.0
    pad_rows = (yt == PADDING_IDX)
    target = jnp.where(pad_rows[:, None], jnp.zeros_like(target), target)

    # F.kl_div(input=log-probs, target, reduction='sum'):
    #   sum over target * (log(target) - input), with 0*log(0) treated as 0
    kl = jnp.where(target > 0, target * (jnp.log(jnp.where(target > 0, target, 1.0)) - yp), 0.0)
    loss = jnp.sum(kl)
    return (loss, non_padding_sum)

if __name__ == "__main__":
    import jax
    _d = setup_inputs()
    print(jax.jit(kernel)(*tuple(_d.values())))

</pallas_src>

<mosaic_0001>
#map = affine_map<(d0, d1) -> (0, 0)>
module attributes {stable_mosaic.version = 14 : i64} {
  func.func @_k(%arg0: i32, %arg1: i32, %arg2: memref<2048x32000xf32, #tpu.memory_space<hbm>>, %arg3: memref<1x2048xi32, #tpu.memory_space<hbm>>, %arg4: memref<16384x128xf32, #tpu.memory_space<hbm>>, %arg5: memref<1x128xi32, #tpu.memory_space<vmem>>, %arg6: memref<!tpu.dma_semaphore, #tpu.memory_space<semaphore_mem>>, %arg7: memref<!tpu.dma_semaphore, #tpu.memory_space<semaphore_mem>>) attributes {dimension_semantics = [#tpu.dimension_semantics<core_parallel>, #tpu.dimension_semantics<subcore_parallel>], iteration_bounds = array<i64: 2, 16>, scalar_prefetch = 0 : i64, scratch_operands = 3 : i64, tpu.core_type = #tpu.core_type<sc_vector_subcore>, window_params = [{transform_indices = #map}, {transform_indices = #map}, {transform_indices = #map}]} {
    %mul3A = arith.constant 128 : i32
    %mul3A_0 = arith.muli %arg1, %mul3A : i32
    %dma_start3A = arith.constant 0 : i32
    %dma_start3A_1 = tpu.memref_slice %arg3[%dma_start3A, %mul3A_0] : memref<1x2048xi32, #tpu.memory_space<hbm>> -> memref<1x128xi32, #tpu.memory_space<hbm>>
    %dma_start3A_2 = arith.constant 0 : i32
    %dma_start3A_3 = tpu.memref_slice %arg3[%dma_start3A_2, %mul3A_0] : memref<1x2048xi32, #tpu.memory_space<hbm>> -> memref<1x128xi32, #tpu.memory_space<hbm>>
    tpu.enqueue_dma source(%dma_start3A_3 : memref<1x128xi32, #tpu.memory_space<hbm>>) target(%arg5 : memref<1x128xi32, #tpu.memory_space<vmem>>) target_semaphore(%arg6 : memref<!tpu.dma_semaphore, #tpu.memory_space<semaphore_mem>>)
    %dma_wait3A = arith.constant 0 : i32
    %dma_wait3A_4 = tpu.memref_slice %arg3[%dma_wait3A, %mul3A_0] : memref<1x2048xi32, #tpu.memory_space<hbm>> -> memref<1x128xi32, #tpu.memory_space<hbm>>
    %dma_wait3A_5 = arith.constant 0 : i32
    %dma_wait3A_6 = tpu.memref_slice %arg3[%dma_wait3A_5, %mul3A_0] : memref<1x2048xi32, #tpu.memory_space<hbm>> -> memref<1x128xi32, #tpu.memory_space<hbm>>
    tpu.wait_dma2 semaphore(%arg6 : memref<!tpu.dma_semaphore, #tpu.memory_space<semaphore_mem>>) src(%dma_wait3A_6 : memref<1x128xi32, #tpu.memory_space<hbm>>) dst(%arg5 : memref<1x128xi32, #tpu.memory_space<vmem>>)
    %mul3A_7 = arith.constant 64 : i32
    %mul3A_8 = arith.muli %arg0, %mul3A_7 : i32
    %scan3A = arith.constant 0 : i32
    %scan3A_9 = arith.constant 64 : i32
    %scan3A_10 = arith.addi %scan3A, %scan3A_9 : i32
    %scan3A_11 = arith.constant 1 : i32
    scf.for %scan3A_18 = %scan3A to %scan3A_10 step %scan3A_11  : i32 {
      %mul3A_19 = arith.constant 1 : i32
      %mul3A_20 = arith.muli %scan3A_18, %mul3A_19 : i32
      %add3A = arith.constant 0 : i32
      %add3A_21 = arith.addi %add3A, %mul3A_20 : i32
      %add3A_22 = arith.addi %mul3A_8, %add3A_21 : i32
      %mul3A_23 = arith.constant 128 : i32
      %mul3A_24 = arith.muli %arg1, %mul3A_23 : i32
      %add3A_25 = arith.addi %mul3A_24, %add3A_22 : i32
      %jit3A = arith.constant 8 : i32
      %div3A = arith.divsi %add3A_25, %jit3A : i32
      %sign3A = arith.constant 0 : i32
      %sign3A_26 = arith.cmpi sgt, %add3A_25, %sign3A : i32
      %sign3A_27 = arith.extui %sign3A_26 : i1 to i32
      %sign3A_28 = arith.constant 0 : i32
      %sign3A_29 = arith.cmpi slt, %add3A_25, %sign3A_28 : i32
      %sign3A_30 = arith.extui %sign3A_29 : i1 to i32
      %sign3A_31 = arith.subi %sign3A_27, %sign3A_30 : i32
      %sign3A_32 = arith.constant 0 : i32
      %sign3A_33 = arith.cmpi sgt, %jit3A, %sign3A_32 : i32
      %sign3A_34 = arith.extui %sign3A_33 : i1 to i32
      %sign3A_35 = arith.constant 0 : i32
      %sign3A_36 = arith.cmpi slt, %jit3A, %sign3A_35 : i32
      %sign3A_37 = arith.extui %sign3A_36 : i1 to i32
      %sign3A_38 = arith.subi %sign3A_34, %sign3A_37 : i32
      %ne3A = arith.cmpi ne, %sign3A_31, %sign3A_38 : i32
      %rem3A = arith.remsi %add3A_25, %jit3A : i32
      %ne3A_39 = arith.constant 0 : i32
      %ne3A_40 = arith.cmpi ne, %rem3A, %ne3A_39 : i32
      %and3A = arith.andi %ne3A, %ne3A_40 : i1
      %sub3A = arith.constant 1 : i32
      %sub3A_41 = arith.subi %div3A, %sub3A : i32
      %select_n3A = arith.select %and3A, %sub3A_41, %div3A : i32
      %mul3A_42 = arith.constant 8 : i32
      %mul3A_43 = arith.muli %select_n3A, %mul3A_42 : i32
      %get3A = arith.constant 0 : i32
      %get3A_44 = arith.index_cast %get3A : i32 to index
      %get3A_45 = arith.index_cast %add3A_22 : i32 to index
      %get3A_46 = tpu.vector_load %arg5[%get3A_44, %get3A_45] {strides = array<i32>} : memref<1x128xi32, #tpu.memory_space<vmem>>, vector<1x1xi32>,
      %get3A_47 = vector.shape_cast %get3A_46 : vector<1x1xi32> to vector<1xi32>
      %squeeze3A = vector.extract %get3A_47[0] : i32 from vector<1xi32>
      %multiple_of3A = tpu.assume_multiple %squeeze3A, 128 : i32
      %mul3A_48 = arith.constant 8 : i32
      %mul3A_49 = arith.muli %add3A_25, %mul3A_48 : i32
      %dma_start3A_50 = arith.constant 0 : i32
      %dma_start3A_51 = tpu.memref_slice %arg4[%mul3A_49, %dma_start3A_50] : memref<16384x128xf32, #tpu.memory_space<hbm>> -> memref<8x128xf32, #tpu.memory_space<hbm>>
      %dma_start3A_52 = tpu.memref_slice %arg2[%mul3A_43, %multiple_of3A] : memref<2048x32000xf32, #tpu.memory_space<hbm>> -> memref<8x128xf32, #tpu.memory_space<hbm>>
      tpu.enqueue_dma source(%dma_start3A_52 : memref<8x128xf32, #tpu.memory_space<hbm>>) target(%dma_start3A_51 : memref<8x128xf32, #tpu.memory_space<hbm>>) target_semaphore(%arg7 : memref<!tpu.dma_semaphore, #tpu.memory_space<semaphore_mem>>)
      %ge3A = arith.constant 8 : i32
      %ge3A_53 = arith.cmpi sge, %add3A_21, %ge3A : i32
      %convert_element_type3A = arith.extui %ge3A_53 : i1 to i32
      %cond3A = arith.constant 0 : i32
      %cond3A_54 = arith.cmpi ne, %convert_element_type3A, %cond3A : i32
      scf.if %cond3A_54 {
        %dma_wait3A_55 = arith.constant 0 : i32
        %dma_wait3A_56 = arith.constant 0 : i32
        %dma_wait3A_57 = tpu.memref_slice %arg4[%dma_wait3A_55, %dma_wait3A_56] : memref<16384x128xf32, #tpu.memory_space<hbm>> -> memref<8x128xf32, #tpu.memory_space<hbm>>
        %dma_wait3A_58 = arith.constant 0 : i32
        %dma_wait3A_59 = arith.constant 0 : i32
        %dma_wait3A_60 = tpu.memref_slice %arg2[%dma_wait3A_58, %dma_wait3A_59] : memref<2048x32000xf32, #tpu.memory_space<hbm>> -> memref<8x128xf32, #tpu.memory_space<hbm>>
        tpu.wait_dma2 semaphore(%arg7 : memref<!tpu.dma_semaphore, #tpu.memory_space<semaphore_mem>>) src(%dma_wait3A_60 : memref<8x128xf32, #tpu.memory_space<hbm>>) dst(%dma_wait3A_57 : memref<8x128xf32, #tpu.memory_space<hbm>>)
      } else {
      }
    }
    %scan3A_12 = arith.constant 64 : i32
    %scan3A_13 = arith.constant 0 : i32
    %scan3A_14 = arith.constant 8 : i32
    %scan3A_15 = arith.addi %scan3A_13, %scan3A_14 : i32
    %scan3A_16 = arith.constant 1 : i32
    scf.for %scan3A_18 = %scan3A_13 to %scan3A_15 step %scan3A_16  : i32 {
      %mul3A_19 = arith.constant 1 : i32
      %mul3A_20 = arith.muli %scan3A_18, %mul3A_19 : i32
      %add3A = arith.constant 0 : i32
      %add3A_21 = arith.addi %add3A, %mul3A_20 : i32
      %dma_wait3A_22 = arith.constant 0 : i32
      %dma_wait3A_23 = arith.constant 0 : i32
      %dma_wait3A_24 = tpu.memref_slice %arg4[%dma_wait3A_22, %dma_wait3A_23] : memref<16384x128xf32, #tpu.memory_space<hbm>> -> memref<8x128xf32, #tpu.memory_space<hbm>>
      %dma_wait3A_25 = arith.constant 0 : i32
      %dma_wait3A_26 = arith.constant 0 : i32
      %dma_wait3A_27 = tpu.memref_slice %arg2[%dma_wait3A_25, %dma_wait3A_26] : memref<2048x32000xf32, #tpu.memory_space<hbm>> -> memref<8x128xf32, #tpu.memory_space<hbm>>
      tpu.wait_dma2 semaphore(%arg7 : memref<!tpu.dma_semaphore, #tpu.memory_space<semaphore_mem>>) src(%dma_wait3A_27 : memref<8x128xf32, #tpu.memory_space<hbm>>) dst(%dma_wait3A_24 : memref<8x128xf32, #tpu.memory_space<hbm>>)
    }
    %scan3A_17 = arith.constant 8 : i32
    return
  }
}

module attributes {stable_mosaic.version = 14 : i64} {
  func.func @_sum_body(%arg0: i32, %arg1: memref<2048x1xf32, #tpu.memory_space<vmem>>, %arg2: memref<2048x1280xf32, #tpu.memory_space<vmem>>, %arg3: memref<1x1xf32, #tpu.memory_space<smem>>, %arg4: memref<1x1xi32, #tpu.memory_space<smem>>, %arg5: memref<2048x128xf32, #tpu.memory_space<vmem>>) attributes {dimension_semantics = [#tpu.dimension_semantics<arbitrary>], iteration_bounds = array<i64: 25>, scalar_prefetch = 0 : i64, scratch_operands = 1 : i64, tpu.core_type = #tpu.core_type<tc>, window_params = [{pipeline_mode = #tpu.pipeline_mode<synchronous>, transform_indices = @transform_0, window_bounds = array<i64: 2048, 1>}, {transform_indices = @transform_1, window_bounds = array<i64: 2048, 1280>}, {transform_indices = @transform_2, window_bounds = array<i64: 1, 1>}, {transform_indices = @transform_3, window_bounds = array<i64: 1, 1>}]} {
    %eq3A = arith.constant 0 : i32
    %eq3A_0 = arith.cmpi eq, %arg0, %eq3A : i32
    %convert_element_type3A = arith.extui %eq3A_0 : i1 to i32
    %cond3A = arith.constant 0 : i32
    %cond3A_1 = arith.cmpi ne, %convert_element_type3A, %cond3A : i32
    scf.if %cond3A_1 {
      %broadcast_in_dim3A = arith.constant 0.000000e+00 : f32
      %broadcast_in_dim3A_50 = vector.broadcast %broadcast_in_dim3A : f32 to vector<2048x128xf32>
      %swap3A_51 = arith.constant 0 : index
      %swap3A_52 = arith.constant 0 : index
      %swap3A_53 = vector.load %arg5[%swap3A_51, %swap3A_52] : memref<2048x128xf32, #tpu.memory_space<vmem>>, vector<2048x128xf32>
      tpu.vector_store %arg5[%swap3A_51, %swap3A_52], %broadcast_in_dim3A_50 {strides = array<i32>} : memref<2048x128xf32, #tpu.memory_space<vmem>>, vector<2048x128xf32>,
    } else {
    }
    %get3A = arith.constant 0 : index
    %get3A_2 = arith.constant 0 : index
    %get3A_3 = vector.load %arg2[%get3A, %get3A_2] : memref<2048x1280xf32, #tpu.memory_space<vmem>>, vector<2048x128xf32>
    %get3A_4 = arith.constant 0 : index
    %get3A_5 = arith.constant 128 : index
    %get3A_6 = vector.load %arg2[%get3A_4, %get3A_5] : memref<2048x1280xf32, #tpu.memory_space<vmem>>, vector<2048x128xf32>
    %add3A = arith.addf %get3A_3, %get3A_6 : vector<2048x128xf32>
    %get3A_7 = arith.constant 0 : index
    %get3A_8 = arith.constant 256 : index
    %get3A_9 = vector.load %arg2[%get3A_7, %get3A_8] : memref<2048x1280xf32, #tpu.memory_space<vmem>>, vector<2048x128xf32>
    %add3A_10 = arith.addf %add3A, %get3A_9 : vector<2048x128xf32>
    %get3A_11 = arith.constant 0 : index
    %get3A_12 = arith.constant 384 : index
    %get3A_13 = vector.load %arg2[%get3A_11, %get3A_12] : memref<2048x1280xf32, #tpu.memory_space<vmem>>, vector<2048x128xf32>
    %add3A_14 = arith.addf %add3A_10, %get3A_13 : vector<2048x128xf32>
    %get3A_15 = arith.constant 0 : index
    %get3A_16 = arith.constant 512 : index
    %get3A_17 = vector.load %arg2[%get3A_15, %get3A_16] : memref<2048x1280xf32, #tpu.memory_space<vmem>>, vector<2048x128xf32>
    %add3A_18 = arith.addf %add3A_14, %get3A_17 : vector<2048x128xf32>
    %get3A_19 = arith.constant 0 : index
    %get3A_20 = arith.constant 640 : index
    %get3A_21 = vector.load %arg2[%get3A_19, %get3A_20] : memref<2048x1280xf32, #tpu.memory_space<vmem>>, vector<2048x128xf32>
    %add3A_22 = arith.addf %add3A_18, %get3A_21 : vector<2048x128xf32>
    %get3A_23 = arith.constant 0 : index
    %get3A_24 = arith.constant 768 : index
    %get3A_25 = vector.load %arg2[%get3A_23, %get3A_24] : memref<2048x1280xf32, #tpu.memory_space<vmem>>, vector<2048x128xf32>
    %add3A_26 = arith.addf %add3A_22, %get3A_25 : vector<2048x128xf32>
    %get3A_27 = arith.constant 0 : index
    %get3A_28 = arith.constant 896 : index
    %get3A_29 = vector.load %arg2[%get3A_27, %get3A_28] : memref<2048x1280xf32, #tpu.memory_space<vmem>>, vector<2048x128xf32>
    %add3A_30 = arith.addf %add3A_26, %get3A_29 : vector<2048x128xf32>
    %get3A_31 = arith.constant 0 : index
    %get3A_32 = arith.constant 1024 : index
    %get3A_33 = vector.load %arg2[%get3A_31, %get3A_32] : memref<2048x1280xf32, #tpu.memory_space<vmem>>, vector<2048x128xf32>
    %add3A_34 = arith.addf %add3A_30, %get3A_33 : vector<2048x128xf32>
    %get3A_35 = arith.constant 0 : index
    %get3A_36 = arith.constant 1152 : index
    %get3A_37 = vector.load %arg2[%get3A_35, %get3A_36] : memref<2048x1280xf32, #tpu.memory_space<vmem>>, vector<2048x128xf32>
    %add3A_38 = arith.addf %add3A_34, %get3A_37 : vector<2048x128xf32>
    %get3A_39 = arith.constant 0 : index
    %get3A_40 = arith.constant 0 : index
    %get3A_41 = vector.load %arg5[%get3A_39, %get3A_40] : memref<2048x128xf32, #tpu.memory_space<vmem>>, vector<2048x128xf32>
    %add3A_42 = arith.addf %get3A_41, %add3A_38 : vector<2048x128xf32>
    %swap3A = arith.constant 0 : index
    %swap3A_43 = arith.constant 0 : index
    %swap3A_44 = vector.load %arg5[%swap3A, %swap3A_43] : memref<2048x128xf32, #tpu.memory_space<vmem>>, vector<2048x128xf32>
    tpu.vector_store %arg5[%swap3A, %swap3A_43], %add3A_42 {strides = array<i32>} : memref<2048x128xf32, #tpu.memory_space<vmem>>, vector<2048x128xf32>,
    %eq3A_45 = arith.constant 24 : i32
    %eq3A_46 = arith.cmpi eq, %arg0, %eq3A_45 : i32
    %convert_element_type3A_47 = arith.extui %eq3A_46 : i1 to i32
    %cond3A_48 = arith.constant 0 : i32
    %cond3A_49 = arith.cmpi ne, %convert_element_type3A_47, %cond3A_48 : i32
    scf.if %cond3A_49 {
      %get3A_50 = arith.constant 0 : index
      %get3A_51 = arith.constant 0 : index
      %get3A_52 = vector.load %arg1[%get3A_50, %get3A_51] : memref<2048x1xf32, #tpu.memory_space<vmem>>, vector<2048x1xf32>
      %get3A_53 = arith.constant 0 : index
      %get3A_54 = arith.constant 0 : index
      %get3A_55 = vector.load %arg5[%get3A_53, %get3A_54] : memref<2048x128xf32, #tpu.memory_space<vmem>>, vector<2048x128xf32>
      %mul3A = vector.broadcast %get3A_52 : vector<2048x1xf32> to vector<2048x128xf32>
      %mul3A_56 = arith.mulf %get3A_55, %mul3A : vector<2048x128xf32>
      %reduce_sum3A = vector.shape_cast %mul3A_56 : vector<2048x128xf32> to vector<1x2048x128xf32>
      %reduce_sum3A_57 = arith.constant dense<0.000000e+00> : vector<1xf32>
      %reduce_sum3A_58 = vector.multi_reduction <add>, %reduce_sum3A, %reduce_sum3A_57 [1, 2] : vector<1x2048x128xf32> to vector<1xf32>
      %reduce_sum3A_59 = vector.shape_cast %reduce_sum3A_58 : vector<1xf32> to vector<1x1x1xf32>
      %reduce_sum3A_60 = vector.extract %reduce_sum3A_59[0, 0, 0] : f32 from vector<1x1x1xf32>
      %swap3A_61 = arith.constant 0 : index
      %swap3A_62 = arith.constant 0 : index
      %swap3A_63 = memref.load %arg3[%swap3A_61, %swap3A_62] : memref<1x1xf32, #tpu.memory_space<smem>>
      memref.store %reduce_sum3A_60, %arg3[%swap3A_61, %swap3A_62] : memref<1x1xf32, #tpu.memory_space<smem>>
      %reduce_sum3A_64 = vector.shape_cast %get3A_52 : vector<2048x1xf32> to vector<1x2048x1xf32>
      %reduce_sum3A_65 = arith.constant dense<0.000000e+00> : vector<1xf32>
      %reduce_sum3A_66 = vector.multi_reduction <add>, %reduce_sum3A_64, %reduce_sum3A_65 [1, 2] : vector<1x2048x1xf32> to vector<1xf32>
      %reduce_sum3A_67 = vector.shape_cast %reduce_sum3A_66 : vector<1xf32> to vector<1x1x1xf32>
      %reduce_sum3A_68 = vector.extract %reduce_sum3A_67[0, 0, 0] : f32 from vector<1x1x1xf32>
      %convert_element_type3A_69 = arith.fptosi %reduce_sum3A_68 : f32 to i32
      %swap3A_70 = arith.constant 0 : index
      %swap3A_71 = arith.constant 0 : index
      %swap3A_72 = memref.load %arg4[%swap3A_70, %swap3A_71] : memref<1x1xi32, #tpu.memory_space<smem>>
      memref.store %convert_element_type3A_69, %arg4[%swap3A_70, %swap3A_71] : memref<1x1xi32, #tpu.memory_space<smem>>
    } else {
    }
    return
  }
  func.func @transform_0(%arg0: i32) -> (i32, i32) {
    %c0_i32 = arith.constant 0 : i32
    %c0_i32_0 = arith.constant 0 : i32
    %c0_i32_1 = arith.constant 0 : i32
    return %c0_i32, %c0_i32_0 : i32, i32
  }
  func.func @transform_1(%arg0: i32) -> (i32, i32) {
    %c0_i32 = arith.constant 0 : i32
    %c0_i32_0 = arith.constant 0 : i32
    return %c0_i32, %arg0 : i32, i32
  }
  func.func @transform_2(%arg0: i32) -> (i32, i32) {
    %c0_i32 = arith.constant 0 : i32
    %c0_i32_0 = arith.constant 0 : i32
    %c0_i32_1 = arith.constant 0 : i32
    return %c0_i32, %c0_i32_0 : i32, i32
  }
  func.func @transform_3(%arg0: i32) -> (i32, i32) {
    %c0_i32 = arith.constant 0 : i32
    %c0_i32_0 = arith.constant 0 : i32
    %c0_i32_1 = arith.constant 0 : i32
    return %c0_i32, %c0_i32_0 : i32, i32
  }
}

module attributes {stable_mosaic.version = 14 : i64} {
  func.func @_combine_body(%arg0: memref<16384x128xf32, #tpu.memory_space<vmem>>, %arg1: memref<16384x1xi32, #tpu.memory_space<vmem>>, %arg2: memref<1x1xf32, #tpu.memory_space<smem>>, %arg3: memref<1x1xi32, #tpu.memory_space<smem>>, %arg4: memref<1x1xf32, #tpu.memory_space<smem>>, %arg5: memref<1x1xi32, #tpu.memory_space<smem>>) attributes {dimension_semantics = [], scalar_prefetch = 0 : i64, scratch_operands = 0 : i64, tpu.core_type = #tpu.core_type<tc>} {
    %iota3A = tpu.iota {dimensions = array<i32: 1>} : vector<16384x128xi32>
    %get3A = arith.constant 0 : index
    %get3A_0 = arith.constant 0 : index
    %get3A_1 = vector.load %arg1[%get3A, %get3A_0] : memref<16384x1xi32, #tpu.memory_space<vmem>>, vector<16384x1xi32>
    %eq3A = vector.broadcast %get3A_1 : vector<16384x1xi32> to vector<16384x128xi32>
    %eq3A_2 = arith.cmpi eq, %iota3A, %eq3A : vector<16384x128xi32>
    %get3A_3 = arith.constant 0 : index
    %get3A_4 = arith.constant 0 : index
    %get3A_5 = vector.load %arg0[%get3A_3, %get3A_4] : memref<16384x128xf32, #tpu.memory_space<vmem>>, vector<16384x128xf32>
    %jit3A = arith.constant 0.000000e+00 : f32
    %broadcast_in_dim3A = vector.broadcast %jit3A : f32 to vector<16384x128xf32>
    %select_n3A = arith.select %eq3A_2, %get3A_5, %broadcast_in_dim3A : vector<16384x128xi1>, vector<16384x128xf32>
    %reduce_sum3A = vector.shape_cast %select_n3A : vector<16384x128xf32> to vector<1x16384x128xf32>
    %reduce_sum3A_6 = arith.constant dense<0.000000e+00> : vector<1xf32>
    %reduce_sum3A_7 = vector.multi_reduction <add>, %reduce_sum3A, %reduce_sum3A_6 [1, 2] : vector<1x16384x128xf32> to vector<1xf32>
    %reduce_sum3A_8 = vector.shape_cast %reduce_sum3A_7 : vector<1xf32> to vector<1x1x1xf32>
    %reduce_sum3A_9 = vector.extract %reduce_sum3A_8[0, 0, 0] : f32 from vector<1x1x1xf32>
    %get3A_10 = arith.constant 0 : index
    %get3A_11 = arith.constant 0 : index
    %get3A_12 = memref.load %arg3[%get3A_10, %get3A_11] : memref<1x1xi32, #tpu.memory_space<smem>>
    %swap3A = arith.constant 0 : index
    %swap3A_13 = arith.constant 0 : index
    %swap3A_14 = memref.load %arg5[%swap3A, %swap3A_13] : memref<1x1xi32, #tpu.memory_space<smem>>
    memref.store %get3A_12, %arg5[%swap3A, %swap3A_13] : memref<1x1xi32, #tpu.memory_space<smem>>
    %get3A_15 = arith.constant 0 : index
    %get3A_16 = arith.constant 0 : index
    %get3A_17 = memref.load %arg3[%get3A_15, %get3A_16] : memref<1x1xi32, #tpu.memory_space<smem>>
    %convert_element_type3A = arith.sitofp %get3A_17 : i32 to f32
    %mul3A = arith.constant -1.3624655 : f32
    %mul3A_18 = arith.mulf %convert_element_type3A, %mul3A : f32
    %get3A_19 = arith.constant 0 : index
    %get3A_20 = arith.constant 0 : index
    %get3A_21 = memref.load %arg2[%get3A_19, %get3A_20] : memref<1x1xf32, #tpu.memory_space<smem>>
    %mul3A_22 = arith.constant 3.12519524E-6 : f32
    %mul3A_23 = arith.mulf %mul3A_22, %get3A_21 : f32
    %sub3A = arith.subf %mul3A_18, %mul3A_23 : f32
    %mul3A_24 = arith.constant 0.899996876 : f32
    %mul3A_25 = arith.mulf %mul3A_24, %reduce_sum3A_9 : f32
    %sub3A_26 = arith.subf %sub3A, %mul3A_25 : f32
    %swap3A_27 = arith.constant 0 : index
    %swap3A_28 = arith.constant 0 : index
    %swap3A_29 = memref.load %arg4[%swap3A_27, %swap3A_28] : memref<1x1xf32, #tpu.memory_space<smem>>
    memref.store %sub3A_26, %arg4[%swap3A_27, %swap3A_28] : memref<1x1xf32, #tpu.memory_space<smem>>
    return
  }
}

</mosaic_0001>

<sc_bundles>
// kernel: kernel.5.cloned.1.call-start
scs
__scs_entry_jumppad:
0x0: {  	(pc) =	sbr.rel $0x88, $3  }
0x1: {  	(tag) =	ssettag $0x0;
	lr =	simm.s32 $0x1  }
0x2: {  	[smem:$0x3F9F] =	sst lr;
	_ =	strace $0xD0000000  }
0x3: {  	_ = 	snop  }
0x4: {  	_ = 	snop  }
0x5: {  	_ = 	snop  }
0x6: {  	_ = 	snop  }
0x7: {  	_ = 	snop  }
__scs_overlays_trampoline_lowered:
0x8: {  	[smem:$0x3FAE] =	sst s0  }
0x9: {  	[smem:$0x3FAF] =	sst s1  }
0xa: {  	[smem:$0x3FB0] =	sst s2  }
0xb: {  	[smem:$0x3FB1] =	sst s3  }
0xc: {  	[smem:$0x3FB2] =	sst s4  }
0xd: {  	[smem:$0x3FB3] =	sst s5  }
0xe: {  	[smem:$0x3FB4] =	sst s6  }
0xf: {  	[smem:$0x3FB5] =	sst s7  }
0x10: {  	[smem:$0x3FB6] =	sst s8  }
0x11: {  	[smem:$0x3FB7] =	sst s9;
	s0 =	simm.s32 @!p0 $0x0  }
0x12: {  	s1 =	sld [smem:$0x3F9D];
	s0 =	simm.s32 @p0 $0x1  }
0x13: {  	[smem:$0x3FB8] =	sst s0;
	s0 =	simm.s32 @!p1 $0x0  }
0x14: {  	s2 =	sld [smem:$0x3F9C];
	s0 =	simm.s32 @p1 $0x1  }
0x15: {  	[smem:$0x3FB9] =	sst s0;
	s0 =	simm.s32 @!p2 $0x0  }
0x16: {  	s3 =	sld [smem:$0x3FDB];
	s0 =	simm.s32 @p2 $0x1  }
0x17: {  	s4 =	simm.s32 $0x1BF5;
	[smem:$0x3FBB] =	sst s0  }
0x18: {  	s0 =	sld [smem:$0x3F9E];
	_ =	swait.ge [sflag:s4], $0x0  }
0x19: {  	s7 =	sld [smem:$0x3F9F]  }
0x1a: {  	s8 =	sadd.s32 $0xFFFFE003, lr  }
0x1b: {  	s9 =	sadd.s32 $0xFFFFFEF7, lr;
	s5 =	simm.s32 $0xFFFFFFFF;
	p2 =	slt.u32 s8, $0xFFFFF086  }
0x1c: {  	p1 =	slt.u32 s9, $0xF7A;
	s5 =	simm.s32 @!p2 $0x0  }
0x1d: {  	s5 =	simm.s32 @p1 $0x1;
	p0 =	seq.s32 s7, s2  }
0x1e: {  	s7 =	smul.u32 @!p0 $0xF7A, s2;
	p2 =	seq.s32 @!p0 s5, $0x0  }
0x1f: {  	s9 =	smul.u32 $0xF7A, s1;
	s8 =	simm.s32 @!p0 $0x1BF5;
	p2 =	por !p2, p0  }
0x20: {  	[sflag:s8] =	ssyncset.s32 @!p0 $0xFFFFF086;
	s6 =	sadd.s32 @!p0 s3, s7;
	s7 =	simm.s32 @!p0 $0x108  }
0x21: {  	s3 =	sadd.s32 s3, s9;
	s6 =	sadd.s32 @!p0 $0x88, s6;
	s7 =	simm.s32 @p2 $0x1082  }
0x22: {  	[simem:s7], [sflag:s8] =	dma.local @!p0 [hbm:s6], $0xF7A  }
0x23: {  	s9 =	sor.u32 $0xD0000000, s2;
	s6 =	simm.s32 $0x108;
	_ =	swait.ge @!p0 [sflag:s8], $0x0  }
0x24: {  	s3 =	sadd.s32 $0x88, s3;
	s6 =	simm.s32 @!p1 $0x1082;
	[sflag:s4] =	ssyncset.s32 $0xFFFFF086  }
0x25: {  	[simem:s6], [sflag:s4] =	dma.local [hbm:s3], $0xF7A  }
0x26: {  	[smem:$0x3F9F] =	sst s1;
	(tag) =	ssettag s2;
	_ =	strace s9  }
0x27: {  	s1 =	sld [smem:$0x3FAF]  }
0x28: {  	s2 =	sld [smem:$0x3FB0]  }
0x29: {  	s4 =	sld [smem:$0x3FB2]  }
0x2a: {  	p0 =	seq.s32 s5, $0x0;
	s5 =	sld [smem:$0x3FB3]  }
0x2b: {  	s6 =	sld [smem:$0x3FB4]  }
0x2c: {  	s7 =	sld [smem:$0x3FB5]  }
0x2d: {  	s3 =	simm.s32 $0x108;
	s8 =	sld [smem:$0x3FB6]  }
0x2e: {  	s3 =	simm.s32 @!p0 $0x1082;
	s9 =	sld [smem:$0x3FB7]  }
0x2f: {  	lr =	sadd.s32 s0, s3;
	s0 =	sld [smem:$0x3FAE]  }
0x30: {  	s3 =	sld [smem:$0x3FB1]  }
0x31: {  	[smem:$0x3FBA] =	sst s10  }
0x32: {  	s10 =	sld [smem:$0x3FB8];
	_ =	sdelay $0x3  }
0x33: {  	p0 =	seq.s32 s10, $0x1;
	s10 =	sld [smem:$0x3FBA];
	_ =	sdelay $0x3  }
0x34: {  	[smem:$0x3FBA] =	sst s10  }
0x35: {  	s10 =	sld [smem:$0x3FB9];
	_ =	sdelay $0x3  }
0x36: {  	p1 =	seq.s32 s10, $0x1;
	s10 =	sld [smem:$0x3FBA];
	_ =	sdelay $0x3  }
0x37: {  	[smem:$0x3FBA] =	sst s10  }
0x38: {  	s10 =	sld [smem:$0x3FBB]  }
0x39: {  	_ = 	snop;
	(pc) =	sbr.ind lr, $3  }
0x3a: {  	_ = 	snop  }
0x3b: {  	_ = 	snop  }
0x3c: {  	p2 =	seq.s32 s10, $0x1;
	s10 =	sld [smem:$0x3FBA]  }
0x3d: {  	_ =	shalt  }
0x3e: {  	_ =	shalt  }
0x3f: {  	_ =	shalt  }
0x40: {  	_ =	shalt  }
0x41: {  	_ =	shalt  }
0x42: {  	_ =	shalt  }
0x43: {  	_ =	shalt  }
0x44: {  	_ =	shalt  }
0x45: {  	_ =	shalt  }
0x46: {  	_ =	shalt  }
0x47: {  	_ =	shalt  }
0x48: {  	_ =	shalt  }
0x49: {  	_ =	shalt  }
0x4a: {  	_ =	shalt  }
0x4b: {  	_ =	shalt  }
0x4c: {  	_ =	shalt  }
0x4d: {  	_ =	shalt  }
0x4e: {  	_ =	shalt  }
0x4f: {  	_ =	shalt  }
0x50: {  	_ =	shalt  }
0x51: {  	_ =	shalt  }
0x52: {  	_ =	shalt  }
0x53: {  	_ =	shalt  }
0x54: {  	_ =	shalt  }
0x55: {  	_ =	shalt  }
0x56: {  	_ =	shalt  }
0x57: {  	_ =	shalt  }
0x58: {  	_ =	shalt  }
0x59: {  	_ =	shalt  }
0x5a: {  	_ =	shalt  }
0x5b: {  	_ =	shalt  }
0x5c: {  	_ =	shalt  }
0x5d: {  	_ =	shalt  }
0x5e: {  	_ =	shalt  }
0x5f: {  	_ =	shalt  }
0x60: {  	_ =	shalt  }
0x61: {  	_ =	shalt  }
0x62: {  	_ =	shalt  }
0x63: {  	_ =	shalt  }
0x64: {  	_ =	shalt  }
0x65: {  	_ =	shalt  }
0x66: {  	_ =	shalt  }
0x67: {  	_ =	shalt  }
0x68: {  	_ =	shalt  }
0x69: {  	_ =	shalt  }
0x6a: {  	_ =	shalt  }
0x6b: {  	_ =	shalt  }
0x6c: {  	_ =	shalt  }
0x6d: {  	_ =	shalt  }
0x6e: {  	_ =	shalt  }
0x6f: {  	_ =	shalt  }
0x70: {  	_ =	shalt  }
0x71: {  	_ =	shalt  }
0x72: {  	_ =	shalt  }
0x73: {  	_ =	shalt  }
0x74: {  	_ =	shalt  }
0x75: {  	_ =	shalt  }
0x76: {  	_ =	shalt  }
0x77: {  	_ =	shalt  }
0x78: {  	_ =	shalt  }
0x79: {  	_ =	shalt  }
0x7a: {  	_ =	shalt  }
0x7b: {  	_ =	shalt  }
0x7c: {  	_ =	shalt  }
0x7d: {  	_ =	shalt  }
0x7e: {  	_ =	shalt  }
0x7f: {  	_ =	shalt  }
0x80: {  	_ =	shalt  }
0x81: {  	_ =	shalt  }
0x82: {  	_ =	shalt  }
0x83: {  	_ =	shalt  }
0x84: {  	_ =	shalt  }
0x85: {  	_ =	shalt  }
0x86: {  	_ =	shalt  }
0x87: {  	_ =	shalt  }
.Lfunc_end0:
.L_simem_size_0:
called_computation_lowered:
.L_overlay_start_0:
0x88: {  	s2 =	sld [smem:$0x3FD9]  }
0x89: {  	s3 =	sld [smem:$0x3FFE];
	_ =	sdelay $0x1  }
0x8a: {  	s1 =	srdreg.scid  }
0x8b: {  	s0 =	sand.u32 $0x1, s1  }
0x8c: {  	s17 =	sshll.u32 s0, $0xA;
	s2 =	sadd.s32 s3, s2  }
0x8d: {  	s2 =	sadd.s32 s2, s17  }
0x8e: {  	[smem:$0x3FC6] =	sst s2  }
0x8f: {  	_ = 	snop  }
0x90: {  	s2 =	sld [smem:$0x3FC9];
	(tm) =	ssettm $0x1  }
0x91: {  	s18 =	sld [smem:$0x3FFB];
	_ =	sdelay $0x3  }
0x92: {  	_ =	strace s18  }
0x93: {  	s3 =	sld [smem:$0x3FFC];
	_ =	sdelay $0x3  }
0x94: {  	_ =	strace s3  }
0x95: {  	s3 =	sld [smem:$0x3FFD];
	_ =	sdelay $0x3  }
0x96: {  	_ =	strace s3  }
0x97: {  	_ =	strace $0x8FFFFFFF  }
0x98: {  	s19 =	sld [smem:$0x3FDB];
	_ =	sdelay $0x1  }
0x99: {  	s4 =	simm.s32 $_scs_section_size  }
0x9a: {  	s5 =	simm.s32 $_size__tile_overlayer_lowered;
	s6 =	simm.s32 $_tile_overlayer_lowered  }
0x9b: {  	s22 =	simm.s32 $0x1BFF;
	s21 =	sshll.u32 s6, $0x1;
	s3 =	sadd.s32 s4, s19  }
0x9c: {  	s7 =	simm.s32 $0x0;
	s20 =	sshll.u32 s5, $0x1;
	s5 =	sadd.s32 s21, s3  }
0x9d: {  	[timem:s7], [sflag:s22] =	dma.local [hbm:s5], s20  }
0x9e: {  	_ =	swait.ge [sflag:s22], s20  }
0x9f: {  	s4 =	ssub.s32 $0x0, s20;
	[sflag:s22] =	ssyncset.done $0x0  }
0xa0: {  	[sflag:s22] =	ssyncadd.s32 s4;
	_ =	sdelay $0x1  }
0xa1: {  	s23 =	simm.s32 $0x1B8B  }
0xa2: {  	_ =	swait.ge [sflag:s23], $0x1  }
0xa3: {  	[sflag:s23] =	ssyncset.done $0x0  }
0xa4: {  	s25 =	simm.s32 $0x1B8E;
	s24 =	sld [smem:$0x3FFE];
	[sflag:s23] =	ssyncadd.s32 $0xFFFFFFFF  }
0xa5: {  	s26 =	simm.s32 $execute0_lowered;
	[smem:$0x3FD2] =	sst s25  }
0xa6: {  	s5 =	sshll.u32 s26, $0x1;
	_ =	strace $0x80000046;
	[dreg:$0x1] =	wrdreg $0xFFFFFFFF  }
0xa7: {  	s28 =	simm.s32 $_size_execute0_lowered;
	s3 =	sadd.s32 s3, s5;
	[dreg:$0x0] =	wrdreg $0x0  }
0xa8: {  	s5 =	sshll.u32 s28, $0x1;
	[dreg:$0x2] =	wrdreg s3  }
0xa9: {  	[dreg:$0x3] =	wrdreg s5  }
0xaa: {  	[dreg:$0x4] =	wrdreg $0xC0  }
0xab: {  	_ =	task [dreg:s7], $0x5FFFF  }
0xac: {  	[dreg:$0x1] =	wrdreg $0xFFFFFFFF  }
0xad: {  	[dreg:$0x0] =	wrdreg $0x60  }
0xae: {  	[dreg:$0x2] =	wrdreg s2  }
0xaf: {  	[dreg:$0x3] =	wrdreg s24  }
0xb0: {  	[dreg:$0x4] =	wrdreg $0x9  }
0xb1: {  	_ =	task.clear_ibuf [dreg:s7], $0x5FFFF;
	_ =	strace $0x90000046  }
0xb2: {  	s29 =	simm.s32 $0x9;
	_ =	strace $0x80000048  }
0xb3: {  	_ =	swait.ge [sflag:s29], $0x1  }
0xb4: {  	[sflag:s29] =	ssyncadd.s32 $0xFFFFFFFF  }
0xb5: {  	_ =	strace $0x90000048  }
0xb6: {  	_ =	sfence  }
0xb7: {  	s30 =	sld [smem:$0x0];
	_ =	sdelay $0x2  }
0xb8: {  	s31 =	sshll.u32 s1, $0xD;
	s1 =	sshrl.u32 s1, $0x2  }
0xb9: {  	s3 =	sand.u32 $0x4000, s31;
	s1 =	sadd.s32 s1, s30  }
0xba: {  	s0 =	sor.u32 s3, s0;
	s1 =	sshll.u32 s1, $0x11  }
0xbb: {  	s0 =	sor.u32 s1, s0  }
0xbc: {  	s0 =	sadd.s32 $0x8F2B, s0  }
0xbd: {  	[sflag:s0] =	ssyncadd.remote.s32 $0x1  }
0xbe: {  	_ =	sfence.sel $0xFFFF  }
0xbf: {  	[dreg:$0x0] =	wrdreg $0xFFFFFFFF;
	(pc) =	sbr.abs _section_cstart, $3  }
0xc0: {  	[dreg:$0x1] =	wrdreg $0xFFFFFFFF  }
0xc1: {  	_ =	task.clear_ibuf [dreg:s7], $0x2FFFF;
	_ =	strace $0x9FFFFFFF  }
0xc2: {  	(tm) =	ssettm $0x7FFFFFFF  }
0xc3: {  	_ =	shalt  }
tec
execute0_lowered:
.L_overlay_start_1:
0x0: {  	(tag) =	ssettag $0x1  }
0x1: {  	s1 =	rddreg [dreg:$0x0]  }
0x2: {  	s4 =	rddreg [dreg:$0x1]  }
0x3: {  	s0 =	rddreg [dreg:$0x2];
	s3 =	simm.s32 $0x0;
	s5 =	srdreg.scid  }
0x4: {  	s2 =	stileid.u32;
	s11 =	simm.s32 $0x2;
	s12 =	simm.s32 $0x0  }
0x5: {  	[smem:$0x7FF] =	sst s3;
	s5 =	sand.u32 $0x1, s5;
	s6 =	sshll.u32 s2, $0x4  }
0x6: {  	s8 =	sshll.u32 s2, $0xE;
	s10 =	sshll.u32 s2, $0x7;
	s31 =	sshll.u32 s2, $0x6  }
0x7: {  	_ =	strace $0x80000047;
	s7 =	ssub.s32 $0x2, s5;
	s6 =	sadd.s32 s6, s4  }
0x8: {  	s8 =	sadd.s32 s8, s4;
	s30 =	sshll.u32 s5, $0xD;
	s9 =	sshrl.u32 s7, $0x1  }
0x9: {  	s5 =	sshll.u32 s5, $0x6;
	s4 =	sadd.s32 $0xE00, s6;
	s7 =	ssub.s32 s7, s9  }
0xa: {  	s8 =	sadd.s32 s30, s8;
	s9 =	simm.s32 $0x1;
	s6 =	smax.u32 s7, $0x1  }
0xb: {  	s7 =	sadd.s32 $0x1000, s8;
	s8 =	sor.u32 s5, s10;
	s10 =	sor.u32 $0x1C02, s31  }
.LBB2_1:
0xc: {  	[tilespmem:s3], [sflag:$0x1] =	stream.linear.gather [hbm4b:s4+s3], $0x80, $0x38;
	[tilespmem:$0x80] =	vst v63  }
0xd: {  	_ =	swait.ge [sflag:s9], $0x80  }
0xe: {  	[sflag:s9] =	ssyncset.done $0x0  }
0xf: {  	[sflag:s9] =	ssyncadd.s32 $0xFFFFFF80  }
0x10: {  	v0 =	vld.msk [tilespmem:s5+$0x0], $0x1;
	_ =	sdelay $0x4  }
0x11: {  	(v2sf) =	vpush v0, $0x0;
	_ =	sdelay $0x9  }
0x12: {  	s13 =	sadd.s32 $0x0, s8;
	s14 =	sand.u32 $0x7, s3  }
0x13: {  	p0 =	seq.s32 s13, $0x0;
	p1 =	sne.s32 s14, $0x0  }
0x14: {  	p0 =	por !p1, !p0  }
0x15: {  	s14 =	simm.s32 $0x1;
	p0 =	por !p0, !p0  }
0x16: {  	s13 =	sshrl.u32 s13, $0x3;
	s14 =	simm.s32 @!p0 $0x0  }
0x17: {  	s13 =	ssub.s32 s13, s14;
	s31 =	spop (v2sf)  }
0x18: {  	s13 =	smul.u32 $0x3E800, s13;
	s14 =	sshll.u32 s31, $0x3  }
0x19: {  	s14 =	sand.u32 $0x7FFFFC00, s14  }
0x1a: {  	s13 =	sadd.s32 s13, s14  }
0x1b: {  	p1 =	por $0x1, $0x1;
	s13 =	sshrl.u32 s13, $0x3  }
0x1c: {  	s15 =	smov.u32 s7;
	s16 =	simm.s32 @!p1 $0x2;
	s13 =	sadd.s32 s1, s13  }
0x1d: {  	[hbm:s7], [sflag:s10] =	dma.local [hbm:s13], $0x80  }
0x1e: {  	s14 =	sadd.s32 $0x1, s5;
	s13 =	simm.s32 $0x1;
	_ =	swait.ge @!p1 [sflag:s16], $0x80  }
.LBB2_2:
0x1f: {  	[sflag:s16] =	ssyncset.done @!p1 $0x0  }
0x20: {  	s15 =	sadd.s32 $0x80, s15;
	s17 =	smov.u32 s13;
	s13 =	sadd.s32 $0x1, s13  }
0x21: {  	p0 =	sne.s32 s13, $0x40;
	[sflag:s16] =	ssyncadd.s32 @!p1 $0xFFFFFF80  }
0x22: {  	v0 =	vld.msk [tilespmem:s14+$0x0], $0x1;
	_ =	sdelay $0x4  }
0x23: {  	(v2sf) =	vpush v0, $0x0;
	_ =	sdelay $0x8  }
0x24: {  	s16 =	sadd.s32 s17, s8;
	s18 =	sand.u32 $0x7, s17  }
0x25: {  	p1 =	seq.s32 s16, $0x0;
	p2 =	sne.s32 s18, $0x0  }
0x26: {  	p1 =	por !p2, !p1  }
0x27: {  	s18 =	simm.s32 $0x1;
	p1 =	por !p1, !p1  }
0x28: {  	s16 =	sshrl.u32 s16, $0x3;
	s18 =	simm.s32 @!p1 $0x0  }
0x29: {  	s16 =	ssub.s32 s16, s18  }
0x2a: {  	s16 =	smul.u32 $0x3E800, s16;
	s18 =	spop (v2sf)  }
0x2b: {  	s18 =	sshll.u32 s18, $0x3  }
0x2c: {  	s18 =	sand.u32 $0x7FFFFC00, s18  }
.Ltmp0:
0x2d: {  	s16 =	sadd.s32 s16, s18;
	(pc) =	sbr.rel @p0 .LBB2_2-.Ltmp0, $4  }
0x2e: {  	p1 =	slt.u32 s17, $0x8;
	s16 =	sshrl.u32 s16, $0x3  }
0x2f: {  	s17 =	sadd.s32 s1, s16;
	s16 =	simm.s32 @!p1 $0x2  }
0x30: {  	[hbm:s15], [sflag:s10] =	dma.local [hbm:s17], $0x80  }
0x31: {  	s14 =	sadd.s32 $0x1, s14;
	_ =	swait.ge @!p1 [sflag:s16], $0x80  }
0x32: {  	[sflag:s16] =	ssyncset.done @!p1 $0x0  }
0x33: {  	[sflag:s16] =	ssyncadd.s32 @!p1 $0xFFFFFF80  }
0x34: {  	_ =	swait.ge [sflag:s11], $0x80  }
0x35: {  	[sflag:s11] =	ssyncset.done $0x0  }
0x36: {  	[sflag:s11] =	ssyncadd.s32 $0xFFFFFF80  }
0x37: {  	_ =	swait.ge [sflag:s11], $0x80  }
0x38: {  	[sflag:s11] =	ssyncset.done $0x0  }
0x39: {  	[sflag:s11] =	ssyncadd.s32 $0xFFFFFF80  }
0x3a: {  	_ =	swait.ge [sflag:s11], $0x80  }
0x3b: {  	[sflag:s11] =	ssyncset.done $0x0  }
0x3c: {  	[sflag:s11] =	ssyncadd.s32 $0xFFFFFF80  }
0x3d: {  	_ =	swait.ge [sflag:s11], $0x80  }
0x3e: {  	[sflag:s11] =	ssyncset.done $0x0  }
0x3f: {  	[sflag:s11] =	ssyncadd.s32 $0xFFFFFF80  }
0x40: {  	_ =	swait.ge [sflag:s11], $0x80  }
0x41: {  	[sflag:s11] =	ssyncset.done $0x0  }
0x42: {  	[sflag:s11] =	ssyncadd.s32 $0xFFFFFF80  }
0x43: {  	_ =	swait.ge [sflag:s11], $0x80  }
0x44: {  	[sflag:s11] =	ssyncset.done $0x0  }
0x45: {  	s12 =	sadd.s32 $0x1, s12;
	[sflag:s11] =	ssyncadd.s32 $0xFFFFFF80  }
0x46: {  	p0 =	sne.s32 s12, s6;
	_ =	swait.ge [sflag:s11], $0x80  }
.Ltmp1:
0x47: {  	[sflag:s11] =	ssyncset.done $0x0;
	(pc) =	sbr.rel @p0 .LBB2_1-.Ltmp1, $4  }
0x48: {  	[sflag:s11] =	ssyncadd.s32 $0xFFFFFF80  }
0x49: {  	_ =	swait.ge [sflag:s11], $0x80  }
0x4a: {  	[sflag:s11] =	ssyncset.done $0x0  }
0x4b: {  	[sflag:s11] =	ssyncadd.s32 $0xFFFFFF80  }
0x4c: {  	_ =	sfence.sel $0x180000  }
0x4d: {  	[bflag:$0x0] =	sbarrier.arrive $0xFFFF  }
0x4e: {  	p0 =	sne.s32 s2, $0x0;
	_ =	strace $0x90000047  }
0x4f: {  	s0 =	sadd.s32 @!p0 $0x100000, s0;
	[bflag:$0x2] =	sbarrier.arrive $0xFFFF  }
0x50: {  	[sflag:s0] =	ssyncadd.tile.s32 @!p0 $0x1;
	_ =	shalt  }
.Lfunc_end2:
_tile_overlayer_lowered:
.L_overlay_start_2:
0x51: {  	(tag) =	ssettag $0x2  }
0x52: {  	s0 =	rddreg [dreg:$0x0];
	s2 =	stileid.u32  }
0x53: {  	s1 =	rddreg [dreg:$0x1];
	p0 =	sne.s32 s2, $0x0  }
0x54: {  	s3 =	rddreg [dreg:$0x2];
	[bflag:$0x3] =	sbarrier.arrive $0xFFFF;
	s2 =	simm.s32 @!p0 $0x1C03  }
0x55: {  	[timem:s3], [sflag:s2] =	dma.local @!p0 [hbm:s0], s1  }
0x56: {  	s0 =	simm.s32 @!p0 $0x3  }
0x57: {  	_ =	swait.ge @!p0 [sflag:s0], s1  }
0x58: {  	s1 =	ssub.s32 @!p0 $0x0, s1;
	[sflag:s0] =	ssyncset.done @!p0 $0x0  }
0x59: {  	[sflag:s0] =	ssyncadd.s32 @!p0 s1  }
0x5a: {  	[bflag:$0x3] =	sbarrier.arrive $0xFFFF  }
0x5b: {  	_ =	shalt  }

</sc_bundles>
